<compile_context>
chip_gen: v7x
topology: tpu7x:2x2x1
jax: 0.10.2.dev20260603
libtpu: 0.0.44.dev20260713+nightly
codegen_flags: <defaults>
</compile_context>

<pallas_src>
import functools

import jax
import jax.numpy as jnp
from jax import lax
from jax.experimental import pallas as pl
from jax.experimental.pallas import tpu as pltpu
from jax.experimental.pallas import tpu_sc as plsc

B, H, W_ = 4, 384, 384
CIN, CF, NCLS = 3, 96, 10
MAXLEN = 512
NTOK = 512
N = H * W_
P = 8192
NT = N // P

SC_NC, SC_NS = 2, 16
NWORK = SC_NC * SC_NS
CHUNK = B * N // NWORK
HBINS = NTOK * NCLS


def _sc_hist_kernel(seg_hbm, gts_hbm, out_hbm, seg_v, gts_v, hist_v):
    wid = lax.axis_index("s") * SC_NC + lax.axis_index("c")
    base = wid * CHUNK
    pltpu.sync_copy(seg_hbm.at[pl.ds(base, CHUNK)], seg_v)
    pltpu.sync_copy(gts_hbm.at[pl.ds(base, CHUNK)], gts_v)

    zeros = jnp.zeros((16,), jnp.float32)

    def zbody(i, carry):
        hist_v[pl.ds(i * 16, 16)] = zeros
        return carry

    lax.fori_loop(0, HBINS // 16, zbody, 0)

    ones = jnp.ones((16,), jnp.float32)

    def body(i, carry):
        for u in range(4):
            s = seg_v[pl.ds((i * 4 + u) * 16, 16)]
            g = gts_v[pl.ds((i * 4 + u) * 16, 16)]
            idx = s * NCLS + g
            plsc.addupdate_scatter(hist_v, [idx], ones)
        return carry

    lax.fori_loop(0, CHUNK // 64, body, 0)
    pltpu.sync_copy(hist_v.at[pl.ds(0, HBINS)], out_hbm.at[pl.ds(wid * HBINS, HBINS)])


_sc_hist = functools.partial(
    pl.kernel,
    mesh=plsc.VectorSubcoreMesh(core_axis_name="c", subcore_axis_name="s"),
    out_type=jax.ShapeDtypeStruct((NWORK * HBINS,), jnp.float32),
    scratch_types=[
        pltpu.VMEM((CHUNK,), jnp.int32),
        pltpu.VMEM((CHUNK,), jnp.int32),
        pltpu.VMEM((HBINS,), jnp.float32),
    ],
    compiler_params=pltpu.CompilerParams(needs_layout_passes=False),
)(_sc_hist_kernel)


def _conv_seg_kernel(off_ref, x_ref, seg_ref, w1_ref, w2_ref,
                     cnn_ref, segg_ref, acc_ref):
    t = pl.program_id(1)
    x = x_ref[0]
    seg = seg_ref[0]
    feats = jax.nn.relu(
        jax.lax.dot_general(w1_ref[...], x, (((0,), (0,)), ((), ()))))
    cnn_ref[0] = jax.lax.dot_general(
        w2_ref[...], feats, (((0,), (0,)), ((), ())))
    segg_ref[0] = seg + off_ref[0]

    @pl.when(t == 0)
    def _init():
        acc_ref[0] = jnp.zeros_like(acc_ref[0])

    segc = jnp.transpose(seg, (1, 0))
    mt = (jax.lax.broadcasted_iota(jnp.int32, (P, NTOK // 2), 1)
          == (segc & 255)).astype(jnp.bfloat16)
    fb = feats.astype(jnp.bfloat16)
    f_hi = jnp.where(seg >= 256, fb, jnp.bfloat16(0))
    f_lo = fb - f_hi
    cd = (((1,), (0,)), ((), ()))
    acc_ref[0, :, :NTOK // 2] += jax.lax.dot_general(
        f_lo, mt, cd, preferred_element_type=jnp.float32)
    acc_ref[0, :, NTOK // 2:] += jax.lax.dot_general(
        f_hi, mt, cd, preferred_element_type=jnp.float32)


def _attn_kernel(nt_ref, acc_ref, meta_ref, wq_ref, wk_ref, wv_ref, wo_ref,
                 tl_ref, lab_ref, mask_ref):
    mw = meta_ref[0]
    msum = jnp.sum(mw, axis=0)
    clc = jnp.transpose(msum, (1, 0))
    counts = jnp.sum(clc, axis=0, keepdims=True)
    tokens_t = acc_ref[0] / jnp.maximum(counts, 1.0)
    mx = jnp.max(clc, axis=0, keepdims=True)
    idxv = jax.lax.broadcasted_iota(jnp.int32, (NCLS, NTOK), 0).astype(jnp.float32)
    lab_ref[0] = jnp.min(jnp.where(clc == mx, idxv, jnp.float32(NCLS)),
                         axis=0, keepdims=True)
    n = nt_ref[0]
    valid_row = (jax.lax.broadcasted_iota(jnp.int32, (1, MAXLEN), 1)
                 < n).astype(jnp.float32)
    valid_col = (jax.lax.broadcasted_iota(jnp.int32, (MAXLEN, 1), 0)
                 < n).astype(jnp.float32)
    mask_ref[0] = valid_row

    cdims = (((0,), (0,)), ((), ()))
    q = jax.lax.dot_general(tokens_t, wq_ref[...], cdims)
    k = jax.lax.dot_general(tokens_t, wk_ref[...], cdims)
    v = jax.lax.dot_general(tokens_t, wv_ref[...], cdims)
    scores = jax.lax.dot_general(
        q, k, (((1,), (1,)), ((), ()))) / jnp.sqrt(jnp.float32(CF))
    smax = jnp.max(scores, axis=1, keepdims=True)
    e = jnp.exp(scores - smax)
    attn = e / jnp.sum(e, axis=1, keepdims=True)
    attn = attn * valid_row * valid_col
    ctx = jax.lax.dot_general(attn, v, (((1,), (0,)), ((), ())))
    tl_ref[0] = jax.lax.dot_general(ctx, wo_ref[...], (((1,), (0,)), ((), ())))


def kernel(img, gts, segments, n_tokens, W1, W2, Wq, Wk, Wv, Wo):
    x = img.reshape(B, CIN, N)
    seg3 = segments.reshape(B, 1, N)
    offsets = jnp.concatenate(
        [jnp.zeros((1,), dtype=n_tokens.dtype), jnp.cumsum(n_tokens)[:-1]])
    off1 = (offsets + 1).astype(jnp.int32).reshape(B, 1, 1)

    meta_flat = _sc_hist(segments.reshape(-1), gts.reshape(-1).astype(jnp.int32))
    meta4 = meta_flat.reshape(B, NWORK // B, MAXLEN, NCLS)

    cnn_flat, seg_global_flat, acc = pl.pallas_call(
        _conv_seg_kernel,
        grid=(B, NT),
        in_specs=[
            pl.BlockSpec((1, 1, 1), lambda b, t: (b, 0, 0)),
            pl.BlockSpec((1, CIN, P), lambda b, t: (b, 0, t)),
            pl.BlockSpec((1, 1, P), lambda b, t: (b, 0, t)),
            pl.BlockSpec((CIN, CF), lambda b, t: (0, 0)),
            pl.BlockSpec((CF, NCLS), lambda b, t: (0, 0)),
        ],
        out_specs=[
            pl.BlockSpec((1, NCLS, P), lambda b, t: (b, 0, t)),
            pl.BlockSpec((1, 1, P), lambda b, t: (b, 0, t)),
            pl.BlockSpec((1, CF, NTOK), lambda b, t: (b, 0, 0)),
        ],
        out_shape=[
            jax.ShapeDtypeStruct((B, NCLS, N), jnp.float32),
            jax.ShapeDtypeStruct((B, 1, N), jnp.int32),
            jax.ShapeDtypeStruct((B, CF, NTOK), jnp.float32),
        ],
        compiler_params=pltpu.CompilerParams(
            dimension_semantics=("parallel", "arbitrary")),
    )(off1, x, seg3, W1, W2)

    nt3 = n_tokens.astype(jnp.int32).reshape(B, 1, 1)
    trans_logits, super_labels, mask = pl.pallas_call(
        _attn_kernel,
        grid=(B,),
        in_specs=[
            pl.BlockSpec((1, 1, 1), lambda b: (b, 0, 0)),
            pl.BlockSpec((1, CF, NTOK), lambda b: (b, 0, 0)),
            pl.BlockSpec((1, NWORK // B, MAXLEN, NCLS),
                         lambda b: (b, 0, 0, 0)),
            pl.BlockSpec((CF, CF), lambda b: (0, 0)),
            pl.BlockSpec((CF, CF), lambda b: (0, 0)),
            pl.BlockSpec((CF, CF), lambda b: (0, 0)),
            pl.BlockSpec((CF, NCLS), lambda b: (0, 0)),
        ],
        out_specs=[
            pl.BlockSpec((1, MAXLEN, NCLS), lambda b: (b, 0, 0)),
            pl.BlockSpec((1, 1, MAXLEN), lambda b: (b, 0, 0)),
            pl.BlockSpec((1, 1, MAXLEN), lambda b: (b, 0, 0)),
        ],
        out_shape=[
            jax.ShapeDtypeStruct((B, MAXLEN, NCLS), jnp.float32),
            jax.ShapeDtypeStruct((B, 1, MAXLEN), jnp.float32),
            jax.ShapeDtypeStruct((B, 1, MAXLEN), jnp.float32),
        ],
    )(nt3, acc, meta4, Wq, Wk, Wv, Wo)

    cnn_logits = cnn_flat.reshape(B, NCLS, H, W_)
    seg_global = seg_global_flat.reshape(B, H, W_)
    tokens_ids = jnp.arange(1, B * NTOK + 1, dtype=jnp.int32)
    return (cnn_logits, trans_logits, super_labels.reshape(B, MAXLEN),
            mask.reshape(B, MAXLEN), tokens_ids, seg_global)

# --- scband reference (transcript-rebuilt; emitter-appended) ---
"""Pipeline reference for scband-irgs-trans-16363825398166 (READ-ONLY COPY).

The authoritative reference and input builder live on the scoring server;
editing this copy changes nothing except your own understanding.
"""

import jax, jax.numpy as jnp
import numpy as np

B, H, W = 4, 384, 384
CIN, CF, NCLS = 3, 96, 10
MAXLEN = 512
NTOK = 512


def setup_inputs(seed: int = 0) -> dict:
    key = jax.random.key(seed)
    ks = jax.random.split(key, 10)
    img = jax.random.normal(ks[0], (B, CIN, H, W), dtype=jnp.float32)
    gts = jax.random.randint(ks[1], (B, H, W), 0, NCLS)
    segments = jax.random.randint(ks[2], (B, H, W), 0, NTOK)
    # fixed superpixel count per image; with 147k pixels and 512 ids every id occurs
    n_tokens = jnp.full((B,), NTOK, dtype=jnp.int32)
    W1 = jax.random.normal(ks[3], (CIN, CF), dtype=jnp.float32) * 0.1
    W2 = jax.random.normal(ks[4], (CF, NCLS), dtype=jnp.float32) * 0.1
    Wq = jax.random.normal(ks[5], (CF, CF), dtype=jnp.float32) * 0.05
    Wk = jax.random.normal(ks[6], (CF, CF), dtype=jnp.float32) * 0.05
    Wv = jax.random.normal(ks[7], (CF, CF), dtype=jnp.float32) * 0.05
    Wo = jax.random.normal(ks[8], (CF, NCLS), dtype=jnp.float32) * 0.05
    return {"img": img, "gts": gts, "segments": segments, "n_tokens": n_tokens,
            "W1": W1, "W2": W2, "Wq": Wq, "Wk": Wk, "Wv": Wv, "Wo": Wo}


def reference(img, gts, segments, n_tokens, W1, W2, Wq, Wk, Wv, Wo):
    # --- cnn: 1x1 conv backbone producing per-pixel logits + features ---
    feats = jax.nn.relu(jnp.einsum('bchw,cf->bfhw', img, W1))
    cnn_logits = jnp.einsum('bfhw,fn->bnhw', feats, W2)
    # --- Extract_tokens (mix_images=False, random_tokens=False) ---
    # segments[i] += s + 1 (global, 1-based)
    offsets = jnp.concatenate([jnp.zeros((1,), dtype=n_tokens.dtype), jnp.cumsum(n_tokens)[:-1]])
    seg_global = segments + offsets[:, None, None] + 1
    T = B * NTOK
    seg_flat = (seg_global - 1).reshape(-1)
    feat_flat = jnp.transpose(feats, (0, 2, 3, 1)).reshape(-1, CF)
    # per-superpixel mean feature (token) via segment scatter-add
    sums = jax.ops.segment_sum(feat_flat, seg_flat, num_segments=T)
    counts = jax.ops.segment_sum(jnp.ones((seg_flat.shape[0],), dtype=jnp.float32), seg_flat, num_segments=T)
    token_means = sums / jnp.maximum(counts, 1.0)[:, None]
    # per-superpixel label mode via class-count scatter-add + argmax
    onehot = jax.nn.one_hot(gts.reshape(-1), NCLS, dtype=jnp.float32)
    class_counts = jax.ops.segment_sum(onehot, seg_flat, num_segments=T)
    seg_labels = jnp.argmax(class_counts, axis=-1).astype(jnp.float32)
    # n_tokens[i] == MAXLEN for all i, so each image yields exactly one padded row (pad=0)
    tokens = token_means.reshape(B, MAXLEN, CF)
    super_labels = seg_labels.reshape(B, MAXLEN)
    pads = (MAXLEN - n_tokens).astype(jnp.float32)[:, None]
    tokens_ids = jnp.arange(1, T + 1)
    # --- Create_mask ---
    valid = (jnp.arange(MAXLEN)[None, :] < (MAXLEN - pads)).astype(jnp.float32)
    mask = valid
    attn_mask = valid[:, :, None] * valid[:, None, :]
    # --- transformer: single self-attention block, mask applied after softmax ---
    q = tokens @ Wq
    k = tokens @ Wk
    v = tokens @ Wv
    scores = jnp.einsum('bld,bmd->blm', q, k) / jnp.sqrt(jnp.float32(CF))
    attn = jax.nn.softmax(scores, axis=-1) * attn_mask
    ctx = jnp.einsum('blm,bmd->bld', attn, v)
    trans_logits = ctx @ Wo
    return (cnn_logits, trans_logits, super_labels, mask, tokens_ids, seg_global)

if __name__ == "__main__":
    import jax
    _d = setup_inputs()
    print(jax.jit(kernel)(*tuple(_d.values())))

</pallas_src>

<mosaic_0001>
#map = affine_map<(d0, d1) -> (0)>
module attributes {stable_mosaic.version = 14 : i64} {
  func.func @_sc_hist_kernel(%arg0: i32, %arg1: i32, %arg2: memref<589824xi32, #tpu.memory_space<hbm>>, %arg3: memref<589824xi32, #tpu.memory_space<hbm>>, %arg4: memref<163840xf32, #tpu.memory_space<hbm>>, %arg5: memref<18432xi32, #tpu.memory_space<vmem>>, %arg6: memref<18432xi32, #tpu.memory_space<vmem>>, %arg7: memref<5120xf32, #tpu.memory_space<vmem>>) attributes {dimension_semantics = [#tpu.dimension_semantics<core_parallel>, #tpu.dimension_semantics<subcore_parallel>], iteration_bounds = array<i64: 2, 16>, scalar_prefetch = 0 : i64, scratch_operands = 3 : i64, tpu.core_type = #tpu.core_type<sc_vector_subcore>, window_params = [{transform_indices = #map}, {transform_indices = #map}, {transform_indices = #map}]} {
    %mul3A = arith.constant 2 : i32
    %mul3A_0 = arith.muli %arg1, %mul3A : i32
    %add3A = arith.addi %mul3A_0, %arg0 : i32
    %mul3A_1 = arith.constant 18432 : i32
    %mul3A_2 = arith.muli %add3A, %mul3A_1 : i32
    "tpu.region"() ({
      %run_scoped3A = tpu.sem_alloc : memref<!tpu.dma_semaphore, #tpu.memory_space<semaphore_mem>>
      %dma_start3A = tpu.memref_slice %arg2[%mul3A_2] : memref<589824xi32, #tpu.memory_space<hbm>> -> memref<18432xi32, #tpu.memory_space<hbm>>
      %dma_start3A_19 = tpu.memref_slice %arg2[%mul3A_2] : memref<589824xi32, #tpu.memory_space<hbm>> -> memref<18432xi32, #tpu.memory_space<hbm>>
      tpu.enqueue_dma source(%dma_start3A_19 : memref<18432xi32, #tpu.memory_space<hbm>>) target(%arg5 : memref<18432xi32, #tpu.memory_space<vmem>>) target_semaphore(%run_scoped3A : memref<!tpu.dma_semaphore, #tpu.memory_space<semaphore_mem>>)
      %dma_wait3A = tpu.memref_slice %arg2[%mul3A_2] : memref<589824xi32, #tpu.memory_space<hbm>> -> memref<18432xi32, #tpu.memory_space<hbm>>
      %dma_wait3A_20 = tpu.memref_slice %arg2[%mul3A_2] : memref<589824xi32, #tpu.memory_space<hbm>> -> memref<18432xi32, #tpu.memory_space<hbm>>
      tpu.wait_dma2 semaphore(%run_scoped3A : memref<!tpu.dma_semaphore, #tpu.memory_space<semaphore_mem>>) src(%dma_wait3A_20 : memref<18432xi32, #tpu.memory_space<hbm>>) dst(%arg5 : memref<18432xi32, #tpu.memory_space<vmem>>)
      tpu.yield
    }) : () -> ()
    "tpu.region"() ({
      %run_scoped3A = tpu.sem_alloc : memref<!tpu.dma_semaphore, #tpu.memory_space<semaphore_mem>>
      %dma_start3A = tpu.memref_slice %arg3[%mul3A_2] : memref<589824xi32, #tpu.memory_space<hbm>> -> memref<18432xi32, #tpu.memory_space<hbm>>
      %dma_start3A_19 = tpu.memref_slice %arg3[%mul3A_2] : memref<589824xi32, #tpu.memory_space<hbm>> -> memref<18432xi32, #tpu.memory_space<hbm>>
      tpu.enqueue_dma source(%dma_start3A_19 : memref<18432xi32, #tpu.memory_space<hbm>>) target(%arg6 : memref<18432xi32, #tpu.memory_space<vmem>>) target_semaphore(%run_scoped3A : memref<!tpu.dma_semaphore, #tpu.memory_space<semaphore_mem>>)
      %dma_wait3A = tpu.memref_slice %arg3[%mul3A_2] : memref<589824xi32, #tpu.memory_space<hbm>> -> memref<18432xi32, #tpu.memory_space<hbm>>
      %dma_wait3A_20 = tpu.memref_slice %arg3[%mul3A_2] : memref<589824xi32, #tpu.memory_space<hbm>> -> memref<18432xi32, #tpu.memory_space<hbm>>
      tpu.wait_dma2 semaphore(%run_scoped3A : memref<!tpu.dma_semaphore, #tpu.memory_space<semaphore_mem>>) src(%dma_wait3A_20 : memref<18432xi32, #tpu.memory_space<hbm>>) dst(%arg6 : memref<18432xi32, #tpu.memory_space<vmem>>)
      tpu.yield
    }) : () -> ()
    %broadcast_in_dim3A = arith.constant 0.000000e+00 : f32
    %broadcast_in_dim3A_3 = vector.broadcast %broadcast_in_dim3A : f32 to vector<16xf32>
    %scan3A = arith.constant 0 : i32
    %scan3A_4 = arith.constant 0 : i32
    %scan3A_5 = arith.constant 320 : i32
    %scan3A_6 = arith.addi %scan3A_4, %scan3A_5 : i32
    %scan3A_7 = arith.constant 1 : i32
    scf.for %scan3A_19 = %scan3A_4 to %scan3A_6 step %scan3A_7  : i32 {
      %mul3A_20 = arith.constant 16 : i32
      %mul3A_21 = arith.muli %scan3A_19, %mul3A_20 : i32
      %swap3A = arith.index_cast %mul3A_21 : i32 to index
      %swap3A_22 = tpu.vector_load %arg7[%swap3A] {strides = array<i32>} : memref<5120xf32, #tpu.memory_space<vmem>>, vector<16xf32>,
      tpu.vector_store %arg7[%swap3A], %broadcast_in_dim3A_3 {strides = array<i32>} : memref<5120xf32, #tpu.memory_space<vmem>>, vector<16xf32>,
    }
    %scan3A_8 = arith.constant 320 : i32
    %broadcast_in_dim3A_9 = arith.constant 1.000000e+00 : f32
    %broadcast_in_dim3A_10 = vector.broadcast %broadcast_in_dim3A_9 : f32 to vector<16xf32>
    %scan3A_11 = arith.constant 0 : i32
    %scan3A_12 = arith.constant 0 : i32
    %scan3A_13 = arith.constant 288 : i32
    %scan3A_14 = arith.addi %scan3A_12, %scan3A_13 : i32
    %scan3A_15 = arith.constant 1 : i32
    scf.for %scan3A_19 = %scan3A_12 to %scan3A_14 step %scan3A_15  : i32 {
      %mul3A_20 = arith.constant 4 : i32
      %mul3A_21 = arith.muli %scan3A_19, %mul3A_20 : i32
      %add3A_22 = arith.constant 0 : i32
      %add3A_23 = arith.addi %mul3A_21, %add3A_22 : i32
      %mul3A_24 = arith.constant 16 : i32
      %mul3A_25 = arith.muli %add3A_23, %mul3A_24 : i32
      %get3A = arith.index_cast %mul3A_25 : i32 to index
      %get3A_26 = tpu.vector_load %arg5[%get3A] {strides = array<i32>} : memref<18432xi32, #tpu.memory_space<vmem>>, vector<16xi32>,
      %mul3A_27 = arith.constant 4 : i32
      %mul3A_28 = arith.muli %scan3A_19, %mul3A_27 : i32
      %add3A_29 = arith.constant 0 : i32
      %add3A_30 = arith.addi %mul3A_28, %add3A_29 : i32
      %mul3A_31 = arith.constant 16 : i32
      %mul3A_32 = arith.muli %add3A_30, %mul3A_31 : i32
      %get3A_33 = arith.index_cast %mul3A_32 : i32 to index
      %get3A_34 = tpu.vector_load %arg6[%get3A_33] {strides = array<i32>} : memref<18432xi32, #tpu.memory_space<vmem>>, vector<16xi32>,
      %mul3A_35 = arith.constant 10 : i32
      %mul3A_36 = vector.broadcast %mul3A_35 : i32 to vector<16xi32>
      %mul3A_37 = arith.muli %get3A_26, %mul3A_36 : vector<16xi32>
      %add3A_38 = arith.addi %mul3A_37, %get3A_34 : vector<16xi32>
      tpu.vector_store_idx %arg7[%add3A_38], %broadcast_in_dim3A_10 {add = true} : memref<5120xf32, #tpu.memory_space<vmem>>[vector<16xi32>], vector<16xf32>,
      %mul3A_39 = arith.constant 4 : i32
      %mul3A_40 = arith.muli %scan3A_19, %mul3A_39 : i32
      %add3A_41 = arith.constant 1 : i32
      %add3A_42 = arith.addi %mul3A_40, %add3A_41 : i32
      %mul3A_43 = arith.constant 16 : i32
      %mul3A_44 = arith.muli %add3A_42, %mul3A_43 : i32
      %get3A_45 = arith.index_cast %mul3A_44 : i32 to index
      %get3A_46 = tpu.vector_load %arg5[%get3A_45] {strides = array<i32>} : memref<18432xi32, #tpu.memory_space<vmem>>, vector<16xi32>,
      %mul3A_47 = arith.constant 4 : i32
      %mul3A_48 = arith.muli %scan3A_19, %mul3A_47 : i32
      %add3A_49 = arith.constant 1 : i32
      %add3A_50 = arith.addi %mul3A_48, %add3A_49 : i32
      %mul3A_51 = arith.constant 16 : i32
      %mul3A_52 = arith.muli %add3A_50, %mul3A_51 : i32
      %get3A_53 = arith.index_cast %mul3A_52 : i32 to index
      %get3A_54 = tpu.vector_load %arg6[%get3A_53] {strides = array<i32>} : memref<18432xi32, #tpu.memory_space<vmem>>, vector<16xi32>,
      %mul3A_55 = arith.constant 10 : i32
      %mul3A_56 = vector.broadcast %mul3A_55 : i32 to vector<16xi32>
      %mul3A_57 = arith.muli %get3A_46, %mul3A_56 : vector<16xi32>
      %add3A_58 = arith.addi %mul3A_57, %get3A_54 : vector<16xi32>
      tpu.vector_store_idx %arg7[%add3A_58], %broadcast_in_dim3A_10 {add = true} : memref<5120xf32, #tpu.memory_space<vmem>>[vector<16xi32>], vector<16xf32>,
      %mul3A_59 = arith.constant 4 : i32
      %mul3A_60 = arith.muli %scan3A_19, %mul3A_59 : i32
      %add3A_61 = arith.constant 2 : i32
      %add3A_62 = arith.addi %mul3A_60, %add3A_61 : i32
      %mul3A_63 = arith.constant 16 : i32
      %mul3A_64 = arith.muli %add3A_62, %mul3A_63 : i32
      %get3A_65 = arith.index_cast %mul3A_64 : i32 to index
      %get3A_66 = tpu.vector_load %arg5[%get3A_65] {strides = array<i32>} : memref<18432xi32, #tpu.memory_space<vmem>>, vector<16xi32>,
      %mul3A_67 = arith.constant 4 : i32
      %mul3A_68 = arith.muli %scan3A_19, %mul3A_67 : i32
      %add3A_69 = arith.constant 2 : i32
      %add3A_70 = arith.addi %mul3A_68, %add3A_69 : i32
      %mul3A_71 = arith.constant 16 : i32
      %mul3A_72 = arith.muli %add3A_70, %mul3A_71 : i32
      %get3A_73 = arith.index_cast %mul3A_72 : i32 to index
      %get3A_74 = tpu.vector_load %arg6[%get3A_73] {strides = array<i32>} : memref<18432xi32, #tpu.memory_space<vmem>>, vector<16xi32>,
      %mul3A_75 = arith.constant 10 : i32
      %mul3A_76 = vector.broadcast %mul3A_75 : i32 to vector<16xi32>
      %mul3A_77 = arith.muli %get3A_66, %mul3A_76 : vector<16xi32>
      %add3A_78 = arith.addi %mul3A_77, %get3A_74 : vector<16xi32>
      tpu.vector_store_idx %arg7[%add3A_78], %broadcast_in_dim3A_10 {add = true} : memref<5120xf32, #tpu.memory_space<vmem>>[vector<16xi32>], vector<16xf32>,
      %mul3A_79 = arith.constant 4 : i32
      %mul3A_80 = arith.muli %scan3A_19, %mul3A_79 : i32
      %add3A_81 = arith.constant 3 : i32
      %add3A_82 = arith.addi %mul3A_80, %add3A_81 : i32
      %mul3A_83 = arith.constant 16 : i32
      %mul3A_84 = arith.muli %add3A_82, %mul3A_83 : i32
      %get3A_85 = arith.index_cast %mul3A_84 : i32 to index
      %get3A_86 = tpu.vector_load %arg5[%get3A_85] {strides = array<i32>} : memref<18432xi32, #tpu.memory_space<vmem>>, vector<16xi32>,
      %mul3A_87 = arith.constant 4 : i32
      %mul3A_88 = arith.muli %scan3A_19, %mul3A_87 : i32
      %add3A_89 = arith.constant 3 : i32
      %add3A_90 = arith.addi %mul3A_88, %add3A_89 : i32
      %mul3A_91 = arith.constant 16 : i32
      %mul3A_92 = arith.muli %add3A_90, %mul3A_91 : i32
      %get3A_93 = arith.index_cast %mul3A_92 : i32 to index
      %get3A_94 = tpu.vector_load %arg6[%get3A_93] {strides = array<i32>} : memref<18432xi32, #tpu.memory_space<vmem>>, vector<16xi32>,
      %mul3A_95 = arith.constant 10 : i32
      %mul3A_96 = vector.broadcast %mul3A_95 : i32 to vector<16xi32>
      %mul3A_97 = arith.muli %get3A_86, %mul3A_96 : vector<16xi32>
      %add3A_98 = arith.addi %mul3A_97, %get3A_94 : vector<16xi32>
      tpu.vector_store_idx %arg7[%add3A_98], %broadcast_in_dim3A_10 {add = true} : memref<5120xf32, #tpu.memory_space<vmem>>[vector<16xi32>], vector<16xf32>,
    }
    %scan3A_16 = arith.constant 288 : i32
    %mul3A_17 = arith.constant 5120 : i32
    %mul3A_18 = arith.muli %add3A, %mul3A_17 : i32
    "tpu.region"() ({
      %run_scoped3A = tpu.sem_alloc : memref<!tpu.dma_semaphore, #tpu.memory_space<semaphore_mem>>
      %dma_start3A = arith.constant 0 : i32
      %dma_start3A_19 = tpu.memref_slice %arg7[%dma_start3A] : memref<5120xf32, #tpu.memory_space<vmem>> -> memref<5120xf32, #tpu.memory_space<vmem>>
      %dma_start3A_20 = tpu.memref_slice %arg4[%mul3A_18] : memref<163840xf32, #tpu.memory_space<hbm>> -> memref<5120xf32, #tpu.memory_space<hbm>>
      %dma_start3A_21 = tpu.memref_slice %arg4[%mul3A_18] : memref<163840xf32, #tpu.memory_space<hbm>> -> memref<5120xf32, #tpu.memory_space<hbm>>
      %dma_start3A_22 = arith.constant 0 : i32
      %dma_start3A_23 = tpu.memref_slice %arg7[%dma_start3A_22] : memref<5120xf32, #tpu.memory_space<vmem>> -> memref<5120xf32, #tpu.memory_space<vmem>>
      tpu.enqueue_dma source(%dma_start3A_23 : memref<5120xf32, #tpu.memory_space<vmem>>) target(%dma_start3A_21 : memref<5120xf32, #tpu.memory_space<hbm>>) target_semaphore(%run_scoped3A : memref<!tpu.dma_semaphore, #tpu.memory_space<semaphore_mem>>)
      %dma_wait3A = arith.constant 0 : i32
      %dma_wait3A_24 = tpu.memref_slice %arg7[%dma_wait3A] : memref<5120xf32, #tpu.memory_space<vmem>> -> memref<5120xf32, #tpu.memory_space<vmem>>
      %dma_wait3A_25 = tpu.memref_slice %arg4[%mul3A_18] : memref<163840xf32, #tpu.memory_space<hbm>> -> memref<5120xf32, #tpu.memory_space<hbm>>
      %dma_wait3A_26 = tpu.memref_slice %arg4[%mul3A_18] : memref<163840xf32, #tpu.memory_space<hbm>> -> memref<5120xf32, #tpu.memory_space<hbm>>
      %dma_wait3A_27 = arith.constant 0 : i32
      %dma_wait3A_28 = tpu.memref_slice %arg7[%dma_wait3A_27] : memref<5120xf32, #tpu.memory_space<vmem>> -> memref<5120xf32, #tpu.memory_space<vmem>>
      tpu.wait_dma2 semaphore(%run_scoped3A : memref<!tpu.dma_semaphore, #tpu.memory_space<semaphore_mem>>) src(%dma_wait3A_28 : memref<5120xf32, #tpu.memory_space<vmem>>) dst(%dma_wait3A_26 : memref<5120xf32, #tpu.memory_space<hbm>>)
      tpu.yield
    }) : () -> ()
    return
  }
}

module attributes {stable_mosaic.version = 14 : i64} {
  func.func @_conv_seg_kernel(%arg0: i32, %arg1: i32, %arg2: memref<1x1x1xi32, #tpu.memory_space<vmem>>, %arg3: memref<1x3x8192xf32, #tpu.memory_space<vmem>>, %arg4: memref<1x1x8192xi32, #tpu.memory_space<vmem>>, %arg5: memref<3x96xf32, #tpu.memory_space<vmem>>, %arg6: memref<96x10xf32, #tpu.memory_space<vmem>>, %arg7: memref<1x10x8192xf32, #tpu.memory_space<vmem>>, %arg8: memref<1x1x8192xi32, #tpu.memory_space<vmem>>, %arg9: memref<1x96x512xf32, #tpu.memory_space<vmem>>) attributes {dimension_semantics = [#tpu.dimension_semantics<parallel>, #tpu.dimension_semantics<arbitrary>], iteration_bounds = array<i64: 4, 18>, scalar_prefetch = 0 : i64, scratch_operands = 0 : i64, tpu.core_type = #tpu.core_type<tc>, window_params = [{transform_indices = @transform_0, window_bounds = array<i64: 1, 1, 1>}, {transform_indices = @transform_1, window_bounds = array<i64: 1, 3, 8192>}, {transform_indices = @transform_2, window_bounds = array<i64: 1, 1, 8192>}, {pipeline_mode = #tpu.pipeline_mode<synchronous>, transform_indices = @transform_3, window_bounds = array<i64: 3, 96>}, {pipeline_mode = #tpu.pipeline_mode<synchronous>, transform_indices = @transform_4, window_bounds = array<i64: 96, 10>}, {transform_indices = @transform_5, window_bounds = array<i64: 1, 10, 8192>}, {transform_indices = @transform_6, window_bounds = array<i64: 1, 1, 8192>}, {transform_indices = @transform_7, window_bounds = array<i64: 1, 96, 512>}]} {
    %get3A = arith.constant 0 : index
    %get3A_0 = arith.constant 0 : index
    %get3A_1 = arith.constant 0 : index
    %get3A_2 = vector.load %arg3[%get3A, %get3A_0, %get3A_1] : memref<1x3x8192xf32, #tpu.memory_space<vmem>>, vector<1x3x8192xf32>
    %get3A_3 = vector.shape_cast %get3A_2 : vector<1x3x8192xf32> to vector<3x8192xf32>
    %get3A_4 = arith.constant 0 : index
    %get3A_5 = arith.constant 0 : index
    %get3A_6 = arith.constant 0 : index
    %get3A_7 = vector.load %arg4[%get3A_4, %get3A_5, %get3A_6] : memref<1x1x8192xi32, #tpu.memory_space<vmem>>, vector<1x1x8192xi32>
    %get3A_8 = vector.shape_cast %get3A_7 : vector<1x1x8192xi32> to vector<1x8192xi32>
    %get3A_9 = arith.constant 0 : index
    %get3A_10 = arith.constant 0 : index
    %get3A_11 = vector.load %arg5[%get3A_9, %get3A_10] : memref<3x96xf32, #tpu.memory_space<vmem>>, vector<3x96xf32>
    %dot_general3A = arith.constant dense<0.000000e+00> : vector<96x8192xf32>
    %dot_general3A_12 = tpu.matmul %get3A_11, %get3A_3, %dot_general3A {dimension_numbers = #tpu.dot_dimension_numbers<[0], [0], [1], [1], [0, 1, 1, 1], [], []>, transpose_lhs_hint = false} : vector<3x96xf32>, vector<3x8192xf32>, vector<96x8192xf32> -> vector<96x8192xf32>
    %max3A = arith.constant 0.000000e+00 : f32
    %max3A_13 = vector.broadcast %max3A : f32 to vector<96x8192xf32>
    %max3A_14 = arith.maximumf %dot_general3A_12, %max3A_13 : vector<96x8192xf32>
    %get3A_15 = arith.constant 0 : index
    %get3A_16 = arith.constant 0 : index
    %get3A_17 = vector.load %arg6[%get3A_15, %get3A_16] : memref<96x10xf32, #tpu.memory_space<vmem>>, vector<96x10xf32>
    %dot_general3A_18 = arith.constant dense<0.000000e+00> : vector<10x8192xf32>
    %dot_general3A_19 = tpu.matmul %get3A_17, %max3A_14, %dot_general3A_18 {dimension_numbers = #tpu.dot_dimension_numbers<[0], [0], [1], [1], [0, 1, 1, 1], [], []>, transpose_lhs_hint = false} : vector<96x10xf32>, vector<96x8192xf32>, vector<10x8192xf32> -> vector<10x8192xf32>
    %swap3A = arith.constant 0 : index
    %swap3A_20 = arith.constant 0 : index
    %swap3A_21 = arith.constant 0 : index
    %swap3A_22 = vector.load %arg7[%swap3A, %swap3A_20, %swap3A_21] : memref<1x10x8192xf32, #tpu.memory_space<vmem>>, vector<1x10x8192xf32>
    %swap3A_23 = vector.shape_cast %swap3A_22 : vector<1x10x8192xf32> to vector<10x8192xf32>
    %swap3A_24 = vector.shape_cast %dot_general3A_19 : vector<10x8192xf32> to vector<1x10x8192xf32>
    tpu.vector_store %arg7[%swap3A, %swap3A_20, %swap3A_21], %swap3A_24 {strides = array<i32>} : memref<1x10x8192xf32, #tpu.memory_space<vmem>>, vector<1x10x8192xf32>,
    %get3A_25 = arith.constant 0 : index
    %get3A_26 = arith.constant 0 : index
    %get3A_27 = arith.constant 0 : index
    %get3A_28 = vector.load %arg2[%get3A_25, %get3A_26, %get3A_27] : memref<1x1x1xi32, #tpu.memory_space<vmem>>, vector<1x1x1xi32>
    %get3A_29 = vector.shape_cast %get3A_28 : vector<1x1x1xi32> to vector<1x1xi32>
    %add3A = vector.broadcast %get3A_29 : vector<1x1xi32> to vector<1x8192xi32>
    %add3A_30 = arith.addi %get3A_8, %add3A : vector<1x8192xi32>
    %swap3A_31 = arith.constant 0 : index
    %swap3A_32 = arith.constant 0 : index
    %swap3A_33 = arith.constant 0 : index
    %swap3A_34 = vector.load %arg8[%swap3A_31, %swap3A_32, %swap3A_33] : memref<1x1x8192xi32, #tpu.memory_space<vmem>>, vector<1x1x8192xi32>
    %swap3A_35 = vector.shape_cast %swap3A_34 : vector<1x1x8192xi32> to vector<1x8192xi32>
    %swap3A_36 = vector.shape_cast %add3A_30 : vector<1x8192xi32> to vector<1x1x8192xi32>
    tpu.vector_store %arg8[%swap3A_31, %swap3A_32, %swap3A_33], %swap3A_36 {strides = array<i32>} : memref<1x1x8192xi32, #tpu.memory_space<vmem>>, vector<1x1x8192xi32>,
    %eq3A = arith.constant 0 : i32
    %eq3A_37 = arith.cmpi eq, %arg1, %eq3A : i32
    %convert_element_type3A = arith.extui %eq3A_37 : i1 to i32
    %cond3A = arith.constant 0 : i32
    %cond3A_38 = arith.cmpi ne, %convert_element_type3A, %cond3A : i32
    scf.if %cond3A_38 {
      %broadcast_in_dim3A_79 = arith.constant 0.000000e+00 : f32
      %broadcast_in_dim3A_80 = vector.broadcast %broadcast_in_dim3A_79 : f32 to vector<96x512xf32>
      %swap3A_81 = arith.constant 0 : index
      %swap3A_82 = arith.constant 0 : index
      %swap3A_83 = arith.constant 0 : index
      %swap3A_84 = vector.load %arg9[%swap3A_81, %swap3A_82, %swap3A_83] : memref<1x96x512xf32, #tpu.memory_space<vmem>>, vector<1x96x512xf32>
      %swap3A_85 = vector.shape_cast %swap3A_84 : vector<1x96x512xf32> to vector<96x512xf32>
      %swap3A_86 = vector.shape_cast %broadcast_in_dim3A_80 : vector<96x512xf32> to vector<1x96x512xf32>
      tpu.vector_store %arg9[%swap3A_81, %swap3A_82, %swap3A_83], %swap3A_86 {strides = array<i32>} : memref<1x96x512xf32, #tpu.memory_space<vmem>>, vector<1x96x512xf32>,
    } else {
    }
    %transpose3A = tpu.transpose %get3A_8, [1, 0] : vector<1x8192xi32> -> vector<8192x1xi32>
    %iota3A = tpu.iota {dimensions = array<i32: 1>} : vector<8192x256xi32>
    %and3A = arith.constant 255 : i32
    %and3A_39 = vector.broadcast %and3A : i32 to vector<8192x1xi32>
    %and3A_40 = arith.andi %transpose3A, %and3A_39 : vector<8192x1xi32>
    %eq3A_41 = vector.broadcast %and3A_40 : vector<8192x1xi32> to vector<8192x256xi32>
    %eq3A_42 = arith.cmpi eq, %iota3A, %eq3A_41 : vector<8192x256xi32>
    %convert_element_type3A_43 = arith.extui %eq3A_42 : vector<8192x256xi1> to vector<8192x256xi32>
    %convert_element_type3A_44 = arith.sitofp %convert_element_type3A_43 : vector<8192x256xi32> to vector<8192x256xf32>
    %convert_element_type3A_45 = arith.truncf %convert_element_type3A_44 : vector<8192x256xf32> to vector<8192x256xbf16>
    %convert_element_type3A_46 = arith.truncf %max3A_14 : vector<96x8192xf32> to vector<96x8192xbf16>
    %ge3A = arith.constant 256 : i32
    %ge3A_47 = vector.broadcast %ge3A : i32 to vector<1x8192xi32>
    %ge3A_48 = arith.cmpi sge, %get3A_8, %ge3A_47 : vector<1x8192xi32>
    %jit3A = arith.constant 0.000000e+00 : bf16
    %broadcast_in_dim3A = vector.shape_cast %ge3A_48 : vector<1x8192xi1> to vector<1x8192xi1>
    %broadcast_in_dim3A_49 = vector.broadcast %broadcast_in_dim3A : vector<1x8192xi1> to vector<96x8192xi1>
    %broadcast_in_dim3A_50 = vector.broadcast %jit3A : bf16 to vector<96x8192xbf16>
    %select_n3A = arith.select %broadcast_in_dim3A_49, %convert_element_type3A_46, %broadcast_in_dim3A_50 : vector<96x8192xi1>, vector<96x8192xbf16>
    %sub3A = arith.subf %convert_element_type3A_46, %select_n3A : vector<96x8192xbf16>
    %get3A_51 = arith.constant 0 : index
    %get3A_52 = arith.constant 0 : index
    %get3A_53 = arith.constant 0 : index
    %get3A_54 = vector.load %arg9[%get3A_51, %get3A_52, %get3A_53] : memref<1x96x512xf32, #tpu.memory_space<vmem>>, vector<1x96x256xf32>
    %get3A_55 = vector.shape_cast %get3A_54 : vector<1x96x256xf32> to vector<96x256xf32>
    %dot_general3A_56 = arith.constant dense<0.000000e+00> : vector<96x256xf32>
    %dot_general3A_57 = tpu.matmul %sub3A, %convert_element_type3A_45, %dot_general3A_56 {dimension_numbers = #tpu.dot_dimension_numbers<[1], [0], [0], [1], [0, 0, 1, 1], [], []>, transpose_lhs_hint = false} : vector<96x8192xbf16>, vector<8192x256xbf16>, vector<96x256xf32> -> vector<96x256xf32>
    %add3A_58 = arith.addf %get3A_55, %dot_general3A_57 : vector<96x256xf32>
    %swap3A_59 = arith.constant 0 : index
    %swap3A_60 = arith.constant 0 : index
    %swap3A_61 = arith.constant 0 : index
    %swap3A_62 = vector.load %arg9[%swap3A_59, %swap3A_60, %swap3A_61] : memref<1x96x512xf32, #tpu.memory_space<vmem>>, vector<1x96x256xf32>
    %swap3A_63 = vector.shape_cast %swap3A_62 : vector<1x96x256xf32> to vector<96x256xf32>
    %swap3A_64 = vector.shape_cast %add3A_58 : vector<96x256xf32> to vector<1x96x256xf32>
    tpu.vector_store %arg9[%swap3A_59, %swap3A_60, %swap3A_61], %swap3A_64 {strides = array<i32>} : memref<1x96x512xf32, #tpu.memory_space<vmem>>, vector<1x96x256xf32>,
    %get3A_65 = arith.constant 0 : index
    %get3A_66 = arith.constant 0 : index
    %get3A_67 = arith.constant 256 : index
    %get3A_68 = vector.load %arg9[%get3A_65, %get3A_66, %get3A_67] : memref<1x96x512xf32, #tpu.memory_space<vmem>>, vector<1x96x256xf32>
    %get3A_69 = vector.shape_cast %get3A_68 : vector<1x96x256xf32> to vector<96x256xf32>
    %dot_general3A_70 = arith.constant dense<0.000000e+00> : vector<96x256xf32>
    %dot_general3A_71 = tpu.matmul %select_n3A, %convert_element_type3A_45, %dot_general3A_70 {dimension_numbers = #tpu.dot_dimension_numbers<[1], [0], [0], [1], [0, 0, 1, 1], [], []>, transpose_lhs_hint = false} : vector<96x8192xbf16>, vector<8192x256xbf16>, vector<96x256xf32> -> vector<96x256xf32>
    %add3A_72 = arith.addf %get3A_69, %dot_general3A_71 : vector<96x256xf32>
    %swap3A_73 = arith.constant 0 : index
    %swap3A_74 = arith.constant 0 : index
    %swap3A_75 = arith.constant 256 : index
    %swap3A_76 = vector.load %arg9[%swap3A_73, %swap3A_74, %swap3A_75] : memref<1x96x512xf32, #tpu.memory_space<vmem>>, vector<1x96x256xf32>
    %swap3A_77 = vector.shape_cast %swap3A_76 : vector<1x96x256xf32> to vector<96x256xf32>
    %swap3A_78 = vector.shape_cast %add3A_72 : vector<96x256xf32> to vector<1x96x256xf32>
    tpu.vector_store %arg9[%swap3A_73, %swap3A_74, %swap3A_75], %swap3A_78 {strides = array<i32>} : memref<1x96x512xf32, #tpu.memory_space<vmem>>, vector<1x96x256xf32>,
    return
  }
  func.func @transform_0(%arg0: i32, %arg1: i32) -> (i32, i32, i32) {
    %c0_i32 = arith.constant 0 : i32
    %c0_i32_0 = arith.constant 0 : i32
    %c0_i32_1 = arith.constant 0 : i32
    return %arg0, %c0_i32, %c0_i32_0 : i32, i32, i32
  }
  func.func @transform_1(%arg0: i32, %arg1: i32) -> (i32, i32, i32) {
    %c0_i32 = arith.constant 0 : i32
    %c0_i32_0 = arith.constant 0 : i32
    return %arg0, %c0_i32, %arg1 : i32, i32, i32
  }
  func.func @transform_2(%arg0: i32, %arg1: i32) -> (i32, i32, i32) {
    %c0_i32 = arith.constant 0 : i32
    %c0_i32_0 = arith.constant 0 : i32
    return %arg0, %c0_i32, %arg1 : i32, i32, i32
  }
  func.func @transform_3(%arg0: i32, %arg1: i32) -> (i32, i32) {
    %c0_i32 = arith.constant 0 : i32
    %c0_i32_0 = arith.constant 0 : i32
    %c0_i32_1 = arith.constant 0 : i32
    return %c0_i32, %c0_i32_0 : i32, i32
  }
  func.func @transform_4(%arg0: i32, %arg1: i32) -> (i32, i32) {
    %c0_i32 = arith.constant 0 : i32
    %c0_i32_0 = arith.constant 0 : i32
    %c0_i32_1 = arith.constant 0 : i32
    return %c0_i32, %c0_i32_0 : i32, i32
  }
  func.func @transform_5(%arg0: i32, %arg1: i32) -> (i32, i32, i32) {
    %c0_i32 = arith.constant 0 : i32
    %c0_i32_0 = arith.constant 0 : i32
    return %arg0, %c0_i32, %arg1 : i32, i32, i32
  }
  func.func @transform_6(%arg0: i32, %arg1: i32) -> (i32, i32, i32) {
    %c0_i32 = arith.constant 0 : i32
    %c0_i32_0 = arith.constant 0 : i32
    return %arg0, %c0_i32, %arg1 : i32, i32, i32
  }
  func.func @transform_7(%arg0: i32, %arg1: i32) -> (i32, i32, i32) {
    %c0_i32 = arith.constant 0 : i32
    %c0_i32_0 = arith.constant 0 : i32
    %c0_i32_1 = arith.constant 0 : i32
    return %arg0, %c0_i32, %c0_i32_0 : i32, i32, i32
  }
}

module attributes {stable_mosaic.version = 14 : i64} {
  func.func @_attn_kernel(%arg0: i32, %arg1: memref<1x1x1xi32, #tpu.memory_space<vmem>>, %arg2: memref<1x96x512xf32, #tpu.memory_space<vmem>>, %arg3: memref<1x8x512x10xf32, #tpu.memory_space<vmem>>, %arg4: memref<96x96xf32, #tpu.memory_space<vmem>>, %arg5: memref<96x96xf32, #tpu.memory_space<vmem>>, %arg6: memref<96x96xf32, #tpu.memory_space<vmem>>, %arg7: memref<96x10xf32, #tpu.memory_space<vmem>>, %arg8: memref<1x512x10xf32, #tpu.memory_space<vmem>>, %arg9: memref<1x1x512xf32, #tpu.memory_space<vmem>>, %arg10: memref<1x1x512xf32, #tpu.memory_space<vmem>>) attributes {dimension_semantics = [#tpu.dimension_semantics<arbitrary>], iteration_bounds = array<i64: 4>, scalar_prefetch = 0 : i64, scratch_operands = 0 : i64, tpu.core_type = #tpu.core_type<tc>, window_params = [{transform_indices = @transform_0, window_bounds = array<i64: 1, 1, 1>}, {transform_indices = @transform_1, window_bounds = array<i64: 1, 96, 512>}, {transform_indices = @transform_2, window_bounds = array<i64: 1, 8, 512, 10>}, {pipeline_mode = #tpu.pipeline_mode<synchronous>, transform_indices = @transform_3, window_bounds = array<i64: 96, 96>}, {pipeline_mode = #tpu.pipeline_mode<synchronous>, transform_indices = @transform_4, window_bounds = array<i64: 96, 96>}, {pipeline_mode = #tpu.pipeline_mode<synchronous>, transform_indices = @transform_5, window_bounds = array<i64: 96, 96>}, {pipeline_mode = #tpu.pipeline_mode<synchronous>, transform_indices = @transform_6, window_bounds = array<i64: 96, 10>}, {transform_indices = @transform_7, window_bounds = array<i64: 1, 512, 10>}, {transform_indices = @transform_8, window_bounds = array<i64: 1, 1, 512>}, {transform_indices = @transform_9, window_bounds = array<i64: 1, 1, 512>}]} {
    %get3A = arith.constant 0 : index
    %get3A_0 = arith.constant 0 : index
    %get3A_1 = arith.constant 0 : index
    %get3A_2 = arith.constant 0 : index
    %get3A_3 = vector.load %arg3[%get3A, %get3A_0, %get3A_1, %get3A_2] : memref<1x8x512x10xf32, #tpu.memory_space<vmem>>, vector<1x8x512x10xf32>
    %get3A_4 = vector.shape_cast %get3A_3 : vector<1x8x512x10xf32> to vector<8x512x10xf32>
    %reduce_sum3A = arith.constant dense<0.000000e+00> : vector<512x10xf32>
    %reduce_sum3A_5 = vector.multi_reduction <add>, %get3A_4, %reduce_sum3A [0] : vector<8x512x10xf32> to vector<512x10xf32>
    %transpose3A = tpu.transpose %reduce_sum3A_5, [1, 0] : vector<512x10xf32> -> vector<10x512xf32>
    %reduce_sum3A_6 = arith.constant dense<0.000000e+00> : vector<512xf32>
    %reduce_sum3A_7 = vector.multi_reduction <add>, %transpose3A, %reduce_sum3A_6 [0] : vector<10x512xf32> to vector<512xf32>
    %broadcast_in_dim3A = vector.shape_cast %reduce_sum3A_7 : vector<512xf32> to vector<1x512xf32>
    %get3A_8 = arith.constant 0 : index
    %get3A_9 = arith.constant 0 : index
    %get3A_10 = arith.constant 0 : index
    %get3A_11 = vector.load %arg2[%get3A_8, %get3A_9, %get3A_10] : memref<1x96x512xf32, #tpu.memory_space<vmem>>, vector<1x96x512xf32>
    %get3A_12 = vector.shape_cast %get3A_11 : vector<1x96x512xf32> to vector<96x512xf32>
    %max3A = arith.constant 1.000000e+00 : f32
    %max3A_13 = vector.broadcast %max3A : f32 to vector<1x512xf32>
    %max3A_14 = arith.maximumf %broadcast_in_dim3A, %max3A_13 : vector<1x512xf32>
    %div3A = vector.broadcast %max3A_14 : vector<1x512xf32> to vector<96x512xf32>
    %div3A_15 = arith.divf %get3A_12, %div3A : vector<96x512xf32>
    %reduce_max3A = arith.constant dense<0xFF800000> : vector<512xf32>
    %reduce_max3A_16 = vector.multi_reduction <maximumf>, %transpose3A, %reduce_max3A [0] : vector<10x512xf32> to vector<512xf32>
    %broadcast_in_dim3A_17 = vector.shape_cast %reduce_max3A_16 : vector<512xf32> to vector<1x512xf32>
    %iota3A = tpu.iota {dimensions = array<i32: 0>} : vector<10x512xi32>
    %convert_element_type3A = arith.sitofp %iota3A : vector<10x512xi32> to vector<10x512xf32>
    %eq3A = vector.broadcast %broadcast_in_dim3A_17 : vector<1x512xf32> to vector<10x512xf32>
    %eq3A_18 = arith.cmpf oeq, %transpose3A, %eq3A : vector<10x512xf32>
    %jit3A = arith.constant 1.000000e+01 : f32
    %broadcast_in_dim3A_19 = vector.broadcast %jit3A : f32 to vector<10x512xf32>
    %select_n3A = arith.select %eq3A_18, %convert_element_type3A, %broadcast_in_dim3A_19 : vector<10x512xi1>, vector<10x512xf32>
    %reduce_min3A = arith.constant dense<0x7F800000> : vector<512xf32>
    %reduce_min3A_20 = vector.multi_reduction <minimumf>, %select_n3A, %reduce_min3A [0] : vector<10x512xf32> to vector<512xf32>
    %broadcast_in_dim3A_21 = vector.shape_cast %reduce_min3A_20 : vector<512xf32> to vector<1x512xf32>
    %swap3A = arith.constant 0 : index
    %swap3A_22 = arith.constant 0 : index
    %swap3A_23 = arith.constant 0 : index
    %swap3A_24 = vector.load %arg9[%swap3A, %swap3A_22, %swap3A_23] : memref<1x1x512xf32, #tpu.memory_space<vmem>>, vector<1x1x512xf32>
    %swap3A_25 = vector.shape_cast %swap3A_24 : vector<1x1x512xf32> to vector<1x512xf32>
    %swap3A_26 = vector.shape_cast %broadcast_in_dim3A_21 : vector<1x512xf32> to vector<1x1x512xf32>
    tpu.vector_store %arg9[%swap3A, %swap3A_22, %swap3A_23], %swap3A_26 {strides = array<i32>} : memref<1x1x512xf32, #tpu.memory_space<vmem>>, vector<1x1x512xf32>,
    %get3A_27 = arith.constant 0 : index
    %get3A_28 = arith.constant 0 : index
    %get3A_29 = arith.constant 0 : index
    %get3A_30 = vector.load %arg1[%get3A_27, %get3A_28, %get3A_29] : memref<1x1x1xi32, #tpu.memory_space<vmem>>, vector<1x1x1xi32>
    %get3A_31 = vector.shape_cast %get3A_30 : vector<1x1x1xi32> to vector<1x1xi32>
    %iota3A_32 = tpu.iota {dimensions = array<i32: 1>} : vector<1x512xi32>
    %lt3A = vector.broadcast %get3A_31 : vector<1x1xi32> to vector<1x512xi32>
    %lt3A_33 = arith.cmpi slt, %iota3A_32, %lt3A : vector<1x512xi32>
    %convert_element_type3A_34 = arith.extui %lt3A_33 : vector<1x512xi1> to vector<1x512xi32>
    %convert_element_type3A_35 = arith.sitofp %convert_element_type3A_34 : vector<1x512xi32> to vector<1x512xf32>
    %iota3A_36 = tpu.iota {dimensions = array<i32: 0>} : vector<512x1xi32>
    %lt3A_37 = vector.broadcast %get3A_31 : vector<1x1xi32> to vector<512x1xi32>
    %lt3A_38 = arith.cmpi slt, %iota3A_36, %lt3A_37 : vector<512x1xi32>
    %convert_element_type3A_39 = arith.extui %lt3A_38 : vector<512x1xi1> to vector<512x1xi32>
    %convert_element_type3A_40 = arith.sitofp %convert_element_type3A_39 : vector<512x1xi32> to vector<512x1xf32>
    %swap3A_41 = arith.constant 0 : index
    %swap3A_42 = arith.constant 0 : index
    %swap3A_43 = arith.constant 0 : index
    %swap3A_44 = vector.load %arg10[%swap3A_41, %swap3A_42, %swap3A_43] : memref<1x1x512xf32, #tpu.memory_space<vmem>>, vector<1x1x512xf32>
    %swap3A_45 = vector.shape_cast %swap3A_44 : vector<1x1x512xf32> to vector<1x512xf32>
    %swap3A_46 = vector.shape_cast %convert_element_type3A_35 : vector<1x512xf32> to vector<1x1x512xf32>
    tpu.vector_store %arg10[%swap3A_41, %swap3A_42, %swap3A_43], %swap3A_46 {strides = array<i32>} : memref<1x1x512xf32, #tpu.memory_space<vmem>>, vector<1x1x512xf32>,
    %get3A_47 = arith.constant 0 : index
    %get3A_48 = arith.constant 0 : index
    %get3A_49 = vector.load %arg4[%get3A_47, %get3A_48] : memref<96x96xf32, #tpu.memory_space<vmem>>, vector<96x96xf32>
    %dot_general3A = arith.constant dense<0.000000e+00> : vector<512x96xf32>
    %dot_general3A_50 = tpu.matmul %div3A_15, %get3A_49, %dot_general3A {dimension_numbers = #tpu.dot_dimension_numbers<[0], [0], [1], [1], [0, 1, 1, 1], [], []>, transpose_lhs_hint = false} : vector<96x512xf32>, vector<96x96xf32>, vector<512x96xf32> -> vector<512x96xf32>
    %get3A_51 = arith.constant 0 : index
    %get3A_52 = arith.constant 0 : index
    %get3A_53 = vector.load %arg5[%get3A_51, %get3A_52] : memref<96x96xf32, #tpu.memory_space<vmem>>, vector<96x96xf32>
    %dot_general3A_54 = arith.constant dense<0.000000e+00> : vector<512x96xf32>
    %dot_general3A_55 = tpu.matmul %div3A_15, %get3A_53, %dot_general3A_54 {dimension_numbers = #tpu.dot_dimension_numbers<[0], [0], [1], [1], [0, 1, 1, 1], [], []>, transpose_lhs_hint = false} : vector<96x512xf32>, vector<96x96xf32>, vector<512x96xf32> -> vector<512x96xf32>
    %get3A_56 = arith.constant 0 : index
    %get3A_57 = arith.constant 0 : index
    %get3A_58 = vector.load %arg6[%get3A_56, %get3A_57] : memref<96x96xf32, #tpu.memory_space<vmem>>, vector<96x96xf32>
    %dot_general3A_59 = arith.constant dense<0.000000e+00> : vector<512x96xf32>
    %dot_general3A_60 = tpu.matmul %div3A_15, %get3A_58, %dot_general3A_59 {dimension_numbers = #tpu.dot_dimension_numbers<[0], [0], [1], [1], [0, 1, 1, 1], [], []>, transpose_lhs_hint = false} : vector<96x512xf32>, vector<96x96xf32>, vector<512x96xf32> -> vector<512x96xf32>
    %dot_general3A_61 = arith.constant dense<0.000000e+00> : vector<512x512xf32>
    %dot_general3A_62 = tpu.matmul %dot_general3A_50, %dot_general3A_55, %dot_general3A_61 {dimension_numbers = #tpu.dot_dimension_numbers<[1], [1], [0], [0], [0, 0, 1, 0], [], []>, transpose_lhs_hint = false} : vector<512x96xf32>, vector<512x96xf32>, vector<512x512xf32> -> vector<512x512xf32>
    %sqrt3A = arith.constant 9.600000e+01 : f32
    %sqrt3A_63 = math.sqrt %sqrt3A : f32
    %div3A_64 = vector.broadcast %sqrt3A_63 : f32 to vector<512x512xf32>
    %div3A_65 = arith.divf %dot_general3A_62, %div3A_64 : vector<512x512xf32>
    %reduce_max3A_66 = arith.constant dense<0xFF800000> : vector<512xf32>
    %reduce_max3A_67 = vector.multi_reduction <maximumf>, %div3A_65, %reduce_max3A_66 [1] : vector<512x512xf32> to vector<512xf32>
    %broadcast_in_dim3A_68 = vector.shape_cast %reduce_max3A_67 : vector<512xf32> to vector<512x1xf32>
    %sub3A = vector.broadcast %broadcast_in_dim3A_68 : vector<512x1xf32> to vector<512x512xf32>
    %sub3A_69 = arith.subf %div3A_65, %sub3A : vector<512x512xf32>
    %exp3A = math.exp %sub3A_69 : vector<512x512xf32>
    %reduce_sum3A_70 = arith.constant dense<0.000000e+00> : vector<512xf32>
    %reduce_sum3A_71 = vector.multi_reduction <add>, %exp3A, %reduce_sum3A_70 [1] : vector<512x512xf32> to vector<512xf32>
    %broadcast_in_dim3A_72 = vector.shape_cast %reduce_sum3A_71 : vector<512xf32> to vector<512x1xf32>
    %div3A_73 = vector.broadcast %broadcast_in_dim3A_72 : vector<512x1xf32> to vector<512x512xf32>
    %div3A_74 = arith.divf %exp3A, %div3A_73 : vector<512x512xf32>
    %mul3A = vector.broadcast %convert_element_type3A_35 : vector<1x512xf32> to vector<512x512xf32>
    %mul3A_75 = arith.mulf %div3A_74, %mul3A : vector<512x512xf32>
    %mul3A_76 = vector.broadcast %convert_element_type3A_40 : vector<512x1xf32> to vector<512x512xf32>
    %mul3A_77 = arith.mulf %mul3A_75, %mul3A_76 : vector<512x512xf32>
    %dot_general3A_78 = arith.constant dense<0.000000e+00> : vector<512x96xf32>
    %dot_general3A_79 = tpu.matmul %mul3A_77, %dot_general3A_60, %dot_general3A_78 {dimension_numbers = #tpu.dot_dimension_numbers<[1], [0], [0], [1], [0, 0, 1, 1], [], []>, transpose_lhs_hint = false} : vector<512x512xf32>, vector<512x96xf32>, vector<512x96xf32> -> vector<512x96xf32>
    %get3A_80 = arith.constant 0 : index
    %get3A_81 = arith.constant 0 : index
    %get3A_82 = vector.load %arg7[%get3A_80, %get3A_81] : memref<96x10xf32, #tpu.memory_space<vmem>>, vector<96x10xf32>
    %dot_general3A_83 = arith.constant dense<0.000000e+00> : vector<512x10xf32>
    %dot_general3A_84 = tpu.matmul %dot_general3A_79, %get3A_82, %dot_general3A_83 {dimension_numbers = #tpu.dot_dimension_numbers<[1], [0], [0], [1], [0, 0, 1, 1], [], []>, transpose_lhs_hint = false} : vector<512x96xf32>, vector<96x10xf32>, vector<512x10xf32> -> vector<512x10xf32>
    %swap3A_85 = arith.constant 0 : index
    %swap3A_86 = arith.constant 0 : index
    %swap3A_87 = arith.constant 0 : index
    %swap3A_88 = vector.load %arg8[%swap3A_85, %swap3A_86, %swap3A_87] : memref<1x512x10xf32, #tpu.memory_space<vmem>>, vector<1x512x10xf32>
    %swap3A_89 = vector.shape_cast %swap3A_88 : vector<1x512x10xf32> to vector<512x10xf32>
    %swap3A_90 = vector.shape_cast %dot_general3A_84 : vector<512x10xf32> to vector<1x512x10xf32>
    tpu.vector_store %arg8[%swap3A_85, %swap3A_86, %swap3A_87], %swap3A_90 {strides = array<i32>} : memref<1x512x10xf32, #tpu.memory_space<vmem>>, vector<1x512x10xf32>,
    return
  }
  func.func @transform_0(%arg0: i32) -> (i32, i32, i32) {
    %c0_i32 = arith.constant 0 : i32
    %c0_i32_0 = arith.constant 0 : i32
    %c0_i32_1 = arith.constant 0 : i32
    return %arg0, %c0_i32, %c0_i32_0 : i32, i32, i32
  }
  func.func @transform_1(%arg0: i32) -> (i32, i32, i32) {
    %c0_i32 = arith.constant 0 : i32
    %c0_i32_0 = arith.constant 0 : i32
    %c0_i32_1 = arith.constant 0 : i32
    return %arg0, %c0_i32, %c0_i32_0 : i32, i32, i32
  }
  func.func @transform_2(%arg0: i32) -> (i32, i32, i32, i32) {
    %c0_i32 = arith.constant 0 : i32
    %c0_i32_0 = arith.constant 0 : i32
    %c0_i32_1 = arith.constant 0 : i32
    %c0_i32_2 = arith.constant 0 : i32
    return %arg0, %c0_i32, %c0_i32_0, %c0_i32_1 : i32, i32, i32, i32
  }
  func.func @transform_3(%arg0: i32) -> (i32, i32) {
    %c0_i32 = arith.constant 0 : i32
    %c0_i32_0 = arith.constant 0 : i32
    %c0_i32_1 = arith.constant 0 : i32
    return %c0_i32, %c0_i32_0 : i32, i32
  }
  func.func @transform_4(%arg0: i32) -> (i32, i32) {
    %c0_i32 = arith.constant 0 : i32
    %c0_i32_0 = arith.constant 0 : i32
    %c0_i32_1 = arith.constant 0 : i32
    return %c0_i32, %c0_i32_0 : i32, i32
  }
  func.func @transform_5(%arg0: i32) -> (i32, i32) {
    %c0_i32 = arith.constant 0 : i32
    %c0_i32_0 = arith.constant 0 : i32
    %c0_i32_1 = arith.constant 0 : i32
    return %c0_i32, %c0_i32_0 : i32, i32
  }
  func.func @transform_6(%arg0: i32) -> (i32, i32) {
    %c0_i32 = arith.constant 0 : i32
    %c0_i32_0 = arith.constant 0 : i32
    %c0_i32_1 = arith.constant 0 : i32
    return %c0_i32, %c0_i32_0 : i32, i32
  }
  func.func @transform_7(%arg0: i32) -> (i32, i32, i32) {
    %c0_i32 = arith.constant 0 : i32
    %c0_i32_0 = arith.constant 0 : i32
    %c0_i32_1 = arith.constant 0 : i32
    return %arg0, %c0_i32, %c0_i32_0 : i32, i32, i32
  }
  func.func @transform_8(%arg0: i32) -> (i32, i32, i32) {
    %c0_i32 = arith.constant 0 : i32
    %c0_i32_0 = arith.constant 0 : i32
    %c0_i32_1 = arith.constant 0 : i32
    return %arg0, %c0_i32, %c0_i32_0 : i32, i32, i32
  }
  func.func @transform_9(%arg0: i32) -> (i32, i32, i32) {
    %c0_i32 = arith.constant 0 : i32
    %c0_i32_0 = arith.constant 0 : i32
    %c0_i32_1 = arith.constant 0 : i32
    return %arg0, %c0_i32, %c0_i32_0 : i32, i32, i32
  }
}

</mosaic_0001>

<sc_bundles>
// kernel: kernel.5.cloned.1.call-start
scs
__scs_entry_jumppad:
0x0: {  	(pc) =	sbr.rel $0x88, $3  }
0x1: {  	(tag) =	ssettag $0x0;
	lr =	simm.s32 $0x1  }
0x2: {  	[smem:$0x3F97] =	sst lr;
	_ =	strace $0xD0000000  }
0x3: {  	_ = 	snop  }
0x4: {  	_ = 	snop  }
0x5: {  	_ = 	snop  }
0x6: {  	_ = 	snop  }
0x7: {  	_ = 	snop  }
__scs_overlays_trampoline_lowered:
0x8: {  	[smem:$0x3FA6] =	sst s0  }
0x9: {  	[smem:$0x3FA7] =	sst s1  }
0xa: {  	[smem:$0x3FA8] =	sst s2  }
0xb: {  	[smem:$0x3FA9] =	sst s3  }
0xc: {  	[smem:$0x3FAA] =	sst s4  }
0xd: {  	[smem:$0x3FAB] =	sst s5  }
0xe: {  	[smem:$0x3FAC] =	sst s6  }
0xf: {  	[smem:$0x3FAD] =	sst s7  }
0x10: {  	[smem:$0x3FAE] =	sst s8  }
0x11: {  	[smem:$0x3FAF] =	sst s9;
	s0 =	simm.s32 @!p0 $0x0  }
0x12: {  	s1 =	sld [smem:$0x3F95];
	s0 =	simm.s32 @p0 $0x1  }
0x13: {  	[smem:$0x3FB0] =	sst s0;
	s0 =	simm.s32 @!p1 $0x0  }
0x14: {  	s2 =	sld [smem:$0x3F94];
	s0 =	simm.s32 @p1 $0x1  }
0x15: {  	[smem:$0x3FB1] =	sst s0;
	s0 =	simm.s32 @!p2 $0x0  }
0x16: {  	s3 =	sld [smem:$0x3FDB];
	s0 =	simm.s32 @p2 $0x1  }
0x17: {  	s4 =	simm.s32 $0x1BF5;
	[smem:$0x3FB3] =	sst s0  }
0x18: {  	s0 =	sld [smem:$0x3F96];
	_ =	swait.ge [sflag:s4], $0x0  }
0x19: {  	s7 =	sld [smem:$0x3F97]  }
0x1a: {  	s8 =	sadd.s32 $0xFFFFE003, lr  }
0x1b: {  	s9 =	sadd.s32 $0xFFFFFEF7, lr;
	s5 =	simm.s32 $0xFFFFFFFF;
	p2 =	slt.u32 s8, $0xFFFFF086  }
0x1c: {  	p1 =	slt.u32 s9, $0xF7A;
	s5 =	simm.s32 @!p2 $0x0  }
0x1d: {  	s5 =	simm.s32 @p1 $0x1;
	p0 =	seq.s32 s7, s2  }
0x1e: {  	s7 =	smul.u32 @!p0 $0xF7A, s2;
	p2 =	seq.s32 @!p0 s5, $0x0  }
0x1f: {  	s9 =	smul.u32 $0xF7A, s1;
	s8 =	simm.s32 @!p0 $0x1BF5;
	p2 =	por !p2, p0  }
0x20: {  	[sflag:s8] =	ssyncset.s32 @!p0 $0xFFFFF086;
	s6 =	sadd.s32 @!p0 s3, s7;
	s7 =	simm.s32 @!p0 $0x108  }
0x21: {  	s3 =	sadd.s32 s3, s9;
	s6 =	sadd.s32 @!p0 $0x88, s6;
	s7 =	simm.s32 @p2 $0x1082  }
0x22: {  	[simem:s7], [sflag:s8] =	dma.local @!p0 [hbm:s6], $0xF7A  }
0x23: {  	s9 =	sor.u32 $0xD0000000, s2;
	s6 =	simm.s32 $0x108;
	_ =	swait.ge @!p0 [sflag:s8], $0x0  }
0x24: {  	s3 =	sadd.s32 $0x88, s3;
	s6 =	simm.s32 @!p1 $0x1082;
	[sflag:s4] =	ssyncset.s32 $0xFFFFF086  }
0x25: {  	[simem:s6], [sflag:s4] =	dma.local [hbm:s3], $0xF7A  }
0x26: {  	[smem:$0x3F97] =	sst s1;
	(tag) =	ssettag s2;
	_ =	strace s9  }
0x27: {  	s1 =	sld [smem:$0x3FA7]  }
0x28: {  	s2 =	sld [smem:$0x3FA8]  }
0x29: {  	s4 =	sld [smem:$0x3FAA]  }
0x2a: {  	p0 =	seq.s32 s5, $0x0;
	s5 =	sld [smem:$0x3FAB]  }
0x2b: {  	s6 =	sld [smem:$0x3FAC]  }
0x2c: {  	s7 =	sld [smem:$0x3FAD]  }
0x2d: {  	s3 =	simm.s32 $0x108;
	s8 =	sld [smem:$0x3FAE]  }
0x2e: {  	s3 =	simm.s32 @!p0 $0x1082;
	s9 =	sld [smem:$0x3FAF]  }
0x2f: {  	lr =	sadd.s32 s0, s3;
	s0 =	sld [smem:$0x3FA6]  }
0x30: {  	s3 =	sld [smem:$0x3FA9]  }
0x31: {  	[smem:$0x3FB2] =	sst s10  }
0x32: {  	s10 =	sld [smem:$0x3FB0];
	_ =	sdelay $0x3  }
0x33: {  	p0 =	seq.s32 s10, $0x1;
	s10 =	sld [smem:$0x3FB2];
	_ =	sdelay $0x3  }
0x34: {  	[smem:$0x3FB2] =	sst s10  }
0x35: {  	s10 =	sld [smem:$0x3FB1];
	_ =	sdelay $0x3  }
0x36: {  	p1 =	seq.s32 s10, $0x1;
	s10 =	sld [smem:$0x3FB2];
	_ =	sdelay $0x3  }
0x37: {  	[smem:$0x3FB2] =	sst s10  }
0x38: {  	s10 =	sld [smem:$0x3FB3]  }
0x39: {  	_ = 	snop;
	(pc) =	sbr.ind lr, $3  }
0x3a: {  	_ = 	snop  }
0x3b: {  	_ = 	snop  }
0x3c: {  	p2 =	seq.s32 s10, $0x1;
	s10 =	sld [smem:$0x3FB2]  }
0x3d: {  	_ =	shalt  }
0x3e: {  	_ =	shalt  }
0x3f: {  	_ =	shalt  }
0x40: {  	_ =	shalt  }
0x41: {  	_ =	shalt  }
0x42: {  	_ =	shalt  }
0x43: {  	_ =	shalt  }
0x44: {  	_ =	shalt  }
0x45: {  	_ =	shalt  }
0x46: {  	_ =	shalt  }
0x47: {  	_ =	shalt  }
0x48: {  	_ =	shalt  }
0x49: {  	_ =	shalt  }
0x4a: {  	_ =	shalt  }
0x4b: {  	_ =	shalt  }
0x4c: {  	_ =	shalt  }
0x4d: {  	_ =	shalt  }
0x4e: {  	_ =	shalt  }
0x4f: {  	_ =	shalt  }
0x50: {  	_ =	shalt  }
0x51: {  	_ =	shalt  }
0x52: {  	_ =	shalt  }
0x53: {  	_ =	shalt  }
0x54: {  	_ =	shalt  }
0x55: {  	_ =	shalt  }
0x56: {  	_ =	shalt  }
0x57: {  	_ =	shalt  }
0x58: {  	_ =	shalt  }
0x59: {  	_ =	shalt  }
0x5a: {  	_ =	shalt  }
0x5b: {  	_ =	shalt  }
0x5c: {  	_ =	shalt  }
0x5d: {  	_ =	shalt  }
0x5e: {  	_ =	shalt  }
0x5f: {  	_ =	shalt  }
0x60: {  	_ =	shalt  }
0x61: {  	_ =	shalt  }
0x62: {  	_ =	shalt  }
0x63: {  	_ =	shalt  }
0x64: {  	_ =	shalt  }
0x65: {  	_ =	shalt  }
0x66: {  	_ =	shalt  }
0x67: {  	_ =	shalt  }
0x68: {  	_ =	shalt  }
0x69: {  	_ =	shalt  }
0x6a: {  	_ =	shalt  }
0x6b: {  	_ =	shalt  }
0x6c: {  	_ =	shalt  }
0x6d: {  	_ =	shalt  }
0x6e: {  	_ =	shalt  }
0x6f: {  	_ =	shalt  }
0x70: {  	_ =	shalt  }
0x71: {  	_ =	shalt  }
0x72: {  	_ =	shalt  }
0x73: {  	_ =	shalt  }
0x74: {  	_ =	shalt  }
0x75: {  	_ =	shalt  }
0x76: {  	_ =	shalt  }
0x77: {  	_ =	shalt  }
0x78: {  	_ =	shalt  }
0x79: {  	_ =	shalt  }
0x7a: {  	_ =	shalt  }
0x7b: {  	_ =	shalt  }
0x7c: {  	_ =	shalt  }
0x7d: {  	_ =	shalt  }
0x7e: {  	_ =	shalt  }
0x7f: {  	_ =	shalt  }
0x80: {  	_ =	shalt  }
0x81: {  	_ =	shalt  }
0x82: {  	_ =	shalt  }
0x83: {  	_ =	shalt  }
0x84: {  	_ =	shalt  }
0x85: {  	_ =	shalt  }
0x86: {  	_ =	shalt  }
0x87: {  	_ =	shalt  }
.Lfunc_end0:
.L_simem_size_0:
called_computation_lowered:
.L_overlay_start_0:
0x88: {  	s2 =	sld [smem:$0x3FD9]  }
0x89: {  	s3 =	sld [smem:$0x3FFE];
	_ =	sdelay $0x1  }
0x8a: {  	s1 =	srdreg.scid  }
0x8b: {  	s0 =	sand.u32 $0x1, s1  }
0x8c: {  	s16 =	sshll.u32 s0, $0xA;
	s2 =	sadd.s32 s3, s2  }
0x8d: {  	s2 =	sadd.s32 s2, s16  }
0x8e: {  	[smem:$0x3FBE] =	sst s2  }
0x8f: {  	_ = 	snop  }
0x90: {  	(tm) =	ssettm $0x1  }
0x91: {  	s17 =	sld [smem:$0x3FFB];
	_ =	sdelay $0x3  }
0x92: {  	_ =	strace s17  }
0x93: {  	s2 =	sld [smem:$0x3FFC];
	_ =	sdelay $0x3  }
0x94: {  	_ =	strace s2  }
0x95: {  	s2 =	sld [smem:$0x3FFD];
	_ =	sdelay $0x3  }
0x96: {  	_ =	strace s2  }
0x97: {  	_ =	strace $0x8FFFFFFF  }
0x98: {  	s18 =	sld [smem:$0x3FDB];
	_ =	sdelay $0x1  }
0x99: {  	s19 =	simm.s32 $_scs_section_size  }
0x9a: {  	s4 =	simm.s32 $_size__tile_overlayer_lowered;
	s5 =	simm.s32 $_tile_overlayer_lowered  }
0x9b: {  	s22 =	simm.s32 $0x1BFF;
	s21 =	sshll.u32 s5, $0x1;
	s2 =	sadd.s32 s19, s18  }
0x9c: {  	s6 =	simm.s32 $0x0;
	s20 =	sshll.u32 s4, $0x1;
	s4 =	sadd.s32 s21, s2  }
0x9d: {  	[timem:s6], [sflag:s22] =	dma.local [hbm:s4], s20  }
0x9e: {  	_ =	swait.ge [sflag:s22], s20  }
0x9f: {  	s3 =	ssub.s32 $0x0, s20;
	[sflag:s22] =	ssyncset.done $0x0  }
0xa0: {  	[sflag:s22] =	ssyncadd.s32 s3;
	_ =	sdelay $0x1  }
0xa1: {  	s23 =	simm.s32 $0x1B8B  }
0xa2: {  	_ =	swait.ge [sflag:s23], $0x1  }
0xa3: {  	[sflag:s23] =	ssyncset.done $0x0  }
0xa4: {  	s25 =	simm.s32 $0x1B8E;
	s24 =	sld [smem:$0x3FFE];
	[sflag:s23] =	ssyncadd.s32 $0xFFFFFFFF  }
0xa5: {  	s26 =	simm.s32 $execute0_lowered;
	[smem:$0x3FD2] =	sst s25  }
0xa6: {  	s4 =	sshll.u32 s26, $0x1;
	_ =	strace $0x80000046;
	[dreg:$0x1] =	wrdreg $0xFFFFFFFF  }
0xa7: {  	s28 =	simm.s32 $_size_execute0_lowered;
	s2 =	sadd.s32 s2, s4;
	[dreg:$0x0] =	wrdreg $0x0  }
0xa8: {  	s4 =	sshll.u32 s28, $0x1;
	[dreg:$0x2] =	wrdreg s2  }
0xa9: {  	[dreg:$0x3] =	wrdreg s4  }
0xaa: {  	[dreg:$0x4] =	wrdreg $0xC0  }
0xab: {  	_ =	task [dreg:s6], $0x5FFFF  }
0xac: {  	[dreg:$0x1] =	wrdreg $0xFFFFFFFF  }
0xad: {  	[dreg:$0x0] =	wrdreg $0x60  }
0xae: {  	[dreg:$0x2] =	wrdreg s24  }
0xaf: {  	[dreg:$0x3] =	wrdreg $0x9  }
0xb0: {  	_ =	task.clear_ibuf [dreg:s6], $0x4FFFF;
	_ =	strace $0x90000046  }
0xb1: {  	s29 =	simm.s32 $0x9;
	_ =	strace $0x80000048  }
0xb2: {  	_ =	swait.ge [sflag:s29], $0x1  }
0xb3: {  	[sflag:s29] =	ssyncadd.s32 $0xFFFFFFFF  }
0xb4: {  	_ =	strace $0x90000048  }
0xb5: {  	_ =	sfence  }
0xb6: {  	s30 =	sld [smem:$0x0];
	_ =	sdelay $0x2  }
0xb7: {  	s31 =	sshll.u32 s1, $0xD;
	s1 =	sshrl.u32 s1, $0x2  }
0xb8: {  	s3 =	sand.u32 $0x4000, s31;
	s1 =	sadd.s32 s1, s30  }
0xb9: {  	s0 =	sor.u32 s3, s0;
	s1 =	sshll.u32 s1, $0x11  }
0xba: {  	s0 =	sor.u32 s1, s0  }
0xbb: {  	s0 =	sadd.s32 $0x8F2B, s0  }
0xbc: {  	[sflag:s0] =	ssyncadd.remote.s32 $0x1  }
0xbd: {  	_ =	sfence.sel $0xFFFF  }
0xbe: {  	[dreg:$0x0] =	wrdreg $0xFFFFFFFF;
	(pc) =	sbr.abs _section_cstart, $3  }
0xbf: {  	[dreg:$0x1] =	wrdreg $0xFFFFFFFF  }
0xc0: {  	_ =	task.clear_ibuf [dreg:s6], $0x2FFFF;
	_ =	strace $0x9FFFFFFF  }
0xc1: {  	(tm) =	ssettm $0x7FFFFFFF  }
tec
execute0_lowered:
.L_overlay_start_1:
0x0: {  	(tag) =	ssettag $0x1  }
0x1: {  	s1 =	srdreg.scid  }
0x2: {  	s0 =	stileid.u32;
	s4 =	rddreg [dreg:$0x0];
	s2 =	simm.s32 $0x0  }
0x3: {  	s8 =	simm.s32 $0x4800;
	s3 =	sand.u32 $0x1, s1;
	s30 =	sshll.u32 s0, $0x1  }
0x4: {  	s9 =	simm.s32 $0x9000;
	s10 =	simm.s32 $0x0;
	s5 =	sor.u32 s3, s30  }
0x5: {  	s1 =	rddreg [dreg:$0x1];
	s3 =	ssub.s32 $0x2, s3;
	s6 =	smul.u32 $0x900, s5  }
0x6: {  	[smem:$0x7FF] =	sst s2;
	s5 =	smul.u32 $0x280, s5;
	s31 =	sshrl.u32 s3, $0x1  }
0x7: {  	_ =	strace $0x80000047;
	s7 =	ssub.s32 s3, s31;
	s6 =	sadd.s32 s6, s4  }
0x8: {  	s5 =	sadd.s32 s5, s4;
	s3 =	sadd.s32 $0x1A00, s6;
	s4 =	sadd.s32 $0x13A00, s6  }
0x9: {  	v0 =	vimm.f32 $0.0e+00;
	v1 =	vimm.f32 $1.000000000e+00;
	s5 =	sadd.s32 $0x25A00, s5;
	s6 =	smax.u32 s7, $0x1;
	s7 =	simm.s32 $0x1  }
.LBB2_1:
0xa: {  	[tilespmem:s2], [sflag:$0x1] =	stream.linear.gather [hbm4b:s3+s2], $0x4800, $0x38;
	[tilespmem:$0xA400] =	vst v63  }
0xb: {  	_ =	swait.ge [sflag:s7], $0x4800  }
0xc: {  	[sflag:s7] =	ssyncset.done $0x0  }
0xd: {  	[sflag:s7] =	ssyncadd.s32 $0xFFFFB800  }
0xe: {  	[tilespmem:s8], [sflag:$0x1] =	stream.linear.gather [hbm4b:s4+s2], $0x4800, $0x38;
	[tilespmem:$0xA400] =	vst v63  }
0xf: {  	_ =	swait.ge [sflag:s7], $0x4800  }
0x10: {  	[sflag:s7] =	ssyncset.done $0x0  }
0x11: {  	s11 =	simm.s32 $0x0;
	[sflag:s7] =	ssyncadd.s32 $0xFFFFB800  }
.LBB2_2:
0x12: {  	p0 =	sne.s32 s11, $0x4FC0  }
.Ltmp0:
0x13: {  	_ = 	snop;
	(pc) =	sbr.rel @p0 .LBB2_2-.Ltmp0, $3  }
0x14: {  	_ =	sdelay $0x1  }
0x15: {  	s12 =	sshra.s32 s11, $0x2  }
0x16: {  	s11 =	sadd.s32 $0x40, s11;
	[tilespmem:s12+$0x9000] =	vst v0  }
0x17: {  	s11 =	simm.s32 $0x0  }
.LBB2_4:
0x18: {  	s12 =	sshra.s32 s11, $0x2  }
0x19: {  	v2 =	vld [tilespmem:s12+$0x0];
	_ =	sdelay $0x1  }
0x1a: {  	v3 =	vld [tilespmem:s12+$0x4800];
	_ =	sdelay $0x2  }
0x1b: {  	v2 =	vmul.u32 $0xA, v2;
	_ =	sdelay $0x1  }
0x1c: {  	v2 =	vadd.s32 v3, v2;
	_ =	sdelay $0x4  }
0x1d: {  	[tilespmem:v2+s9+$0x0] =	vst.idx.add.f32.msk $0xffff, v1  }
0x1e: {  	v2 =	vld [tilespmem:s12+$0x10];
	_ =	sdelay $0x1  }
0x1f: {  	v3 =	vld [tilespmem:s12+$0x4810];
	_ =	sdelay $0x2  }
0x20: {  	v2 =	vmul.u32 $0xA, v2;
	_ =	sdelay $0x1  }
0x21: {  	v2 =	vadd.s32 v3, v2;
	_ =	sdelay $0x4  }
0x22: {  	[tilespmem:v2+s9+$0x0] =	vst.idx.add.f32.msk $0xffff, v1  }
0x23: {  	v2 =	vld [tilespmem:s12+$0x20];
	_ =	sdelay $0x1  }
0x24: {  	v3 =	vld [tilespmem:s12+$0x4820];
	_ =	sdelay $0x2  }
0x25: {  	v2 =	vmul.u32 $0xA, v2;
	_ =	sdelay $0x1  }
0x26: {  	v2 =	vadd.s32 v3, v2;
	_ =	sdelay $0x4  }
0x27: {  	[tilespmem:v2+s9+$0x0] =	vst.idx.add.f32.msk $0xffff, v1  }
0x28: {  	v2 =	vld [tilespmem:s12+$0x30];
	_ =	sdelay $0x1  }
0x29: {  	v3 =	vld [tilespmem:s12+$0x4830];
	_ =	sdelay $0x2  }
0x2a: {  	v2 =	vmul.u32 $0xA, v2;
	_ =	sdelay $0x1  }
0x2b: {  	p0 =	sne.s32 s11, $0x11F00;
	v2 =	vadd.s32 v3, v2  }
.Ltmp1:
0x2c: {  	_ = 	snop;
	(pc) =	sbr.rel @p0 .LBB2_4-.Ltmp1, $2  }
0x2d: {  	_ =	sdelay $0x2  }
0x2e: {  	s11 =	sadd.s32 $0x100, s11;
	[tilespmem:v2+s9+$0x0] =	vst.idx.add.f32.msk $0xffff, v1  }
0x2f: {  	s10 =	sadd.s32 $0x1, s10  }
0x30: {  	p0 =	sne.s32 s10, s6  }
.Ltmp2:
0x31: {  	_ = 	snop;
	(pc) =	sbr.rel @p0 .LBB2_1-.Ltmp2, $4  }
0x32: {  	[hbm4b:s5+s2] =	stream.linear.scatter [tilespmem:s9], [sflag:$0x1], $0x1400, $0x38;
	[tilespmem:$0xA400] =	vst v63  }
0x33: {  	_ =	swait.ge [sflag:s7], $0x1400  }
0x34: {  	[sflag:s7] =	ssyncset.done $0x0  }
0x35: {  	[sflag:s7] =	ssyncadd.s32 $0xFFFFEC00  }
0x36: {  	_ =	sfence.sel $0x180000  }
0x37: {  	[bflag:$0x0] =	sbarrier.arrive $0xFFFF  }
0x38: {  	p0 =	sne.s32 s0, $0x0;
	_ =	strace $0x90000047  }
0x39: {  	s0 =	sadd.s32 @!p0 $0x100000, s1;
	[bflag:$0x2] =	sbarrier.arrive $0xFFFF  }
0x3a: {  	[sflag:s0] =	ssyncadd.tile.s32 @!p0 $0x1;
	_ =	shalt  }
.Lfunc_end2:
_tile_overlayer_lowered:
.L_overlay_start_2:
0x3b: {  	(tag) =	ssettag $0x2  }
0x3c: {  	s0 =	rddreg [dreg:$0x0];
	s2 =	stileid.u32  }
0x3d: {  	s1 =	rddreg [dreg:$0x1];
	p0 =	sne.s32 s2, $0x0  }
0x3e: {  	s3 =	rddreg [dreg:$0x2];
	[bflag:$0x3] =	sbarrier.arrive $0xFFFF;
	s2 =	simm.s32 @!p0 $0x1C01  }
0x3f: {  	[timem:s3], [sflag:s2] =	dma.local @!p0 [hbm:s0], s1  }
0x40: {  	s0 =	simm.s32 @!p0 $0x1  }
0x41: {  	_ =	swait.ge @!p0 [sflag:s0], s1  }
0x42: {  	s1 =	ssub.s32 @!p0 $0x0, s1;
	[sflag:s0] =	ssyncset.done @!p0 $0x0  }
0x43: {  	[sflag:s0] =	ssyncadd.s32 @!p0 s1  }
0x44: {  	[bflag:$0x3] =	sbarrier.arrive $0xFFFF  }
0x45: {  	_ =	shalt  }

</sc_bundles>
